<compile_context>
chip_gen: v7x
topology: tpu7x:2x2x1
jax: 0.10.2.dev20260603
libtpu: 0.0.44.dev20260713+nightly
codegen_flags: <defaults>
</compile_context>

<pallas_src>
import functools

import jax
import jax.numpy as jnp
from jax import lax
from jax.experimental import pallas as pl
from jax.experimental.pallas import tpu as pltpu
from jax.experimental.pallas import tpu_sc as plsc

B = 1024
L = 50
V = 1000
LANES = 16

_NC = 2
_NS = 16
_NW = _NC * _NS
_ROWS_PER_W = B // _NW
_GROUPS = 2
_G_ROWS = _ROWS_PER_W // _GROUPS
_G_SPAN = _G_ROWS * V

_FULL_IDX_CHUNKS = L // LANES
_IDX_TAIL = L - LANES
_TAIL_LANES = L - _FULL_IDX_CHUNKS * LANES


def _sc_kernel(x_hbm, out_hbm, idx_v, acc_v, sem_in, sem_out):
    wid = lax.axis_index("s") * _NC + lax.axis_index("c")
    in_copy = pltpu.async_copy(
        x_hbm.at[pl.ds(wid * (_ROWS_PER_W * L), _ROWS_PER_W * L)], idx_v,
        sem_in)

    ones = jnp.ones((LANES,), jnp.float32)
    zeros = jnp.zeros((LANES,), jnp.float32)
    tail_mask = lax.iota(jnp.int32, LANES) >= (LANES - _TAIL_LANES)

    out_copies = []
    for g in range(_GROUPS):
        span = g * _G_SPAN

        @plsc.parallel_loop(span, span + _G_SPAN, step=LANES, unroll=8)
        def _zero(i):
            acc_v[pl.ds(i, LANES)] = zeros

        if g == 0:
            in_copy.wait()

        @plsc.parallel_loop(g * _G_ROWS, (g + 1) * _G_ROWS, step=1, unroll=2)
        def _scatter(r):
            acc_base = r * V
            idx_base = r * L
            for c in range(_FULL_IDX_CHUNKS):
                col = idx_v[pl.ds(idx_base + c * LANES, LANES)]
                plsc.addupdate_scatter(acc_v, [acc_base + col], ones)
            col = idx_v[pl.ds(idx_base + _IDX_TAIL, LANES)]
            plsc.addupdate_scatter(acc_v, [acc_base + col], ones,
                                   mask=tail_mask)

        out_copies.append(
            pltpu.async_copy(
                acc_v.at[pl.ds(span, _G_SPAN)],
                out_hbm.at[pl.ds(wid * (_ROWS_PER_W * V) + span, _G_SPAN)],
                sem_out))

    for c in out_copies:
        c.wait()


@jax.jit
def kernel(x):
    mesh = plsc.VectorSubcoreMesh(core_axis_name="c", subcore_axis_name="s")
    run = functools.partial(
        pl.kernel,
        mesh=mesh,
        compiler_params=pltpu.CompilerParams(
            use_tc_tiling_on_sc=False,
            needs_layout_passes=False,
            skip_device_barrier=True,
            disable_bounds_checks=True,
        ),
        out_type=jax.ShapeDtypeStruct((B * V,), jnp.float32),
        scratch_types=[
            pltpu.VMEM((_ROWS_PER_W * L,), jnp.int32),
            pltpu.VMEM((_ROWS_PER_W * V,), jnp.float32),
            pltpu.SemaphoreType.DMA,
            pltpu.SemaphoreType.DMA,
        ],
    )(_sc_kernel)
    return run(x.astype(jnp.int32).reshape(B * L)).reshape(B, V)

# --- scband reference (transcript-rebuilt; emitter-appended) ---
"""Pipeline reference for scband-multihot-embedding-37821482009245 (READ-ONLY COPY).

The authoritative reference and input builder live on the scoring server;
editing this copy changes nothing except your own understanding.
"""

import jax, jax.numpy as jnp
import numpy as np

VOCAB_SIZE = 1000

def setup_inputs(seed: int = 0) -> dict:
    key = jax.random.key(seed)
    x = jax.random.randint(key, (1024, 50), 0, VOCAB_SIZE, dtype=jnp.int64 if jax.config.jax_enable_x64 else jnp.int32)
    return {"x": x}

def reference(x):
    # Faithful translation of MultihotEmbedding.call:
    #   one_hot(x, vocab_size) -> [B, L, V]; sum over axis=-2 -> [B, V]
    one_hot = jax.nn.one_hot(x, VOCAB_SIZE, dtype=jnp.float32)
    multihot = jnp.sum(one_hot, axis=-2)
    return multihot

if __name__ == "__main__":
    import jax
    _d = setup_inputs()
    print(jax.jit(kernel)(*tuple(_d.values())))

</pallas_src>

<mosaic_0001>
#map = affine_map<(d0, d1) -> (0)>
module attributes {stable_mosaic.version = 14 : i64} {
  func.func @_sc_kernel(%arg0: i32, %arg1: i32, %arg2: memref<51200xi32, #tpu.memory_space<hbm>>, %arg3: memref<1024000xf32, #tpu.memory_space<hbm>>, %arg4: memref<1600xi32, #tpu.memory_space<vmem>>, %arg5: memref<32000xf32, #tpu.memory_space<vmem>>, %arg6: memref<!tpu.dma_semaphore, #tpu.memory_space<semaphore_mem>>, %arg7: memref<!tpu.dma_semaphore, #tpu.memory_space<semaphore_mem>>) attributes {dimension_semantics = [#tpu.dimension_semantics<core_parallel>, #tpu.dimension_semantics<subcore_parallel>], iteration_bounds = array<i64: 2, 16>, scalar_prefetch = 0 : i64, scratch_operands = 4 : i64, tpu.core_type = #tpu.core_type<sc_vector_subcore>, window_params = [{transform_indices = #map}, {transform_indices = #map}]} {
    %mul3A = arith.constant 2 : i32
    %mul3A_0 = arith.muli %arg1, %mul3A : i32
    %add3A = arith.addi %mul3A_0, %arg0 : i32
    %mul3A_1 = arith.constant 1600 : i32
    %mul3A_2 = arith.muli %add3A, %mul3A_1 : i32
    %dma_start3A = tpu.memref_slice %arg2[%mul3A_2] : memref<51200xi32, #tpu.memory_space<hbm>> -> memref<1600xi32, #tpu.memory_space<hbm>>
    %dma_start3A_3 = tpu.memref_slice %arg2[%mul3A_2] : memref<51200xi32, #tpu.memory_space<hbm>> -> memref<1600xi32, #tpu.memory_space<hbm>>
    tpu.enqueue_dma source(%dma_start3A_3 : memref<1600xi32, #tpu.memory_space<hbm>>) target(%arg4 : memref<1600xi32, #tpu.memory_space<vmem>>) target_semaphore(%arg6 : memref<!tpu.dma_semaphore, #tpu.memory_space<semaphore_mem>>)
    %broadcast_in_dim3A = arith.constant 1.000000e+00 : f32
    %broadcast_in_dim3A_4 = vector.broadcast %broadcast_in_dim3A : f32 to vector<16xf32>
    %broadcast_in_dim3A_5 = arith.constant 0.000000e+00 : f32
    %broadcast_in_dim3A_6 = vector.broadcast %broadcast_in_dim3A_5 : f32 to vector<16xf32>
    %iota3A = tpu.iota {dimensions = array<i32: 0>} : vector<16xi32>
    %ge3A = arith.constant 14 : i32
    %ge3A_7 = vector.broadcast %ge3A : i32 to vector<16xi32>
    %ge3A_8 = arith.cmpi sge, %iota3A, %ge3A_7 : vector<16xi32>
    %parallel_loop3A = arith.constant 0 : i32
    %parallel_loop3A_9 = arith.constant 16000 : i32
    %parallel_loop3A_10 = arith.constant 16 : i32
    scf.for %parallel_loop3A_53 = %parallel_loop3A to %parallel_loop3A_9 step %parallel_loop3A_10  : i32 {
      %parallel_loop3A_54 = arith.index_cast %parallel_loop3A_53 : i32 to index
      %parallel_loop3A_55 = tpu.vector_load %arg5[%parallel_loop3A_54] {strides = array<i32>} : memref<32000xf32, #tpu.memory_space<vmem>>, vector<16xf32>,
      tpu.vector_store %arg5[%parallel_loop3A_54], %broadcast_in_dim3A_6 {strides = array<i32>} : memref<32000xf32, #tpu.memory_space<vmem>>, vector<16xf32>,
    } {sc.loop_unroll_factor = 8 : i64, sc.parallel_access}
    %dma_wait3A = tpu.memref_slice %arg2[%mul3A_2] : memref<51200xi32, #tpu.memory_space<hbm>> -> memref<1600xi32, #tpu.memory_space<hbm>>
    %dma_wait3A_11 = tpu.memref_slice %arg2[%mul3A_2] : memref<51200xi32, #tpu.memory_space<hbm>> -> memref<1600xi32, #tpu.memory_space<hbm>>
    tpu.wait_dma2 semaphore(%arg6 : memref<!tpu.dma_semaphore, #tpu.memory_space<semaphore_mem>>) src(%dma_wait3A_11 : memref<1600xi32, #tpu.memory_space<hbm>>) dst(%arg4 : memref<1600xi32, #tpu.memory_space<vmem>>)
    %parallel_loop3A_12 = arith.constant 0 : i32
    %parallel_loop3A_13 = arith.constant 16 : i32
    %parallel_loop3A_14 = arith.constant 1 : i32
    scf.for %parallel_loop3A_53 = %parallel_loop3A_12 to %parallel_loop3A_13 step %parallel_loop3A_14  : i32 {
      %parallel_loop3A_54 = arith.constant 1000 : i32
      %parallel_loop3A_55 = arith.muli %parallel_loop3A_53, %parallel_loop3A_54 : i32
      %parallel_loop3A_56 = arith.constant 50 : i32
      %parallel_loop3A_57 = arith.muli %parallel_loop3A_53, %parallel_loop3A_56 : i32
      %parallel_loop3A_58 = arith.constant 0 : i32
      %parallel_loop3A_59 = arith.addi %parallel_loop3A_57, %parallel_loop3A_58 : i32
      %parallel_loop3A_60 = arith.index_cast %parallel_loop3A_59 : i32 to index
      %parallel_loop3A_61 = tpu.vector_load %arg4[%parallel_loop3A_60] {strides = array<i32>} : memref<1600xi32, #tpu.memory_space<vmem>>, vector<16xi32>,
      %parallel_loop3A_62 = vector.broadcast %parallel_loop3A_55 : i32 to vector<16xi32>
      %parallel_loop3A_63 = arith.addi %parallel_loop3A_62, %parallel_loop3A_61 : vector<16xi32>
      tpu.vector_store_idx %arg5[%parallel_loop3A_63], %broadcast_in_dim3A_4 {add = true} : memref<32000xf32, #tpu.memory_space<vmem>>[vector<16xi32>], vector<16xf32>,
      %parallel_loop3A_64 = arith.constant 16 : i32
      %parallel_loop3A_65 = arith.addi %parallel_loop3A_57, %parallel_loop3A_64 : i32
      %parallel_loop3A_66 = arith.index_cast %parallel_loop3A_65 : i32 to index
      %parallel_loop3A_67 = tpu.vector_load %arg4[%parallel_loop3A_66] {strides = array<i32>} : memref<1600xi32, #tpu.memory_space<vmem>>, vector<16xi32>,
      %parallel_loop3A_68 = vector.broadcast %parallel_loop3A_55 : i32 to vector<16xi32>
      %parallel_loop3A_69 = arith.addi %parallel_loop3A_68, %parallel_loop3A_67 : vector<16xi32>
      tpu.vector_store_idx %arg5[%parallel_loop3A_69], %broadcast_in_dim3A_4 {add = true} : memref<32000xf32, #tpu.memory_space<vmem>>[vector<16xi32>], vector<16xf32>,
      %parallel_loop3A_70 = arith.constant 32 : i32
      %parallel_loop3A_71 = arith.addi %parallel_loop3A_57, %parallel_loop3A_70 : i32
      %parallel_loop3A_72 = arith.index_cast %parallel_loop3A_71 : i32 to index
      %parallel_loop3A_73 = tpu.vector_load %arg4[%parallel_loop3A_72] {strides = array<i32>} : memref<1600xi32, #tpu.memory_space<vmem>>, vector<16xi32>,
      %parallel_loop3A_74 = vector.broadcast %parallel_loop3A_55 : i32 to vector<16xi32>
      %parallel_loop3A_75 = arith.addi %parallel_loop3A_74, %parallel_loop3A_73 : vector<16xi32>
      tpu.vector_store_idx %arg5[%parallel_loop3A_75], %broadcast_in_dim3A_4 {add = true} : memref<32000xf32, #tpu.memory_space<vmem>>[vector<16xi32>], vector<16xf32>,
      %parallel_loop3A_76 = arith.constant 34 : i32
      %parallel_loop3A_77 = arith.addi %parallel_loop3A_57, %parallel_loop3A_76 : i32
      %parallel_loop3A_78 = arith.index_cast %parallel_loop3A_77 : i32 to index
      %parallel_loop3A_79 = tpu.vector_load %arg4[%parallel_loop3A_78] {strides = array<i32>} : memref<1600xi32, #tpu.memory_space<vmem>>, vector<16xi32>,
      %parallel_loop3A_80 = vector.broadcast %parallel_loop3A_55 : i32 to vector<16xi32>
      %parallel_loop3A_81 = arith.addi %parallel_loop3A_80, %parallel_loop3A_79 : vector<16xi32>
      tpu.vector_store_idx %arg5[%parallel_loop3A_81], %broadcast_in_dim3A_4 masked %ge3A_8 {add = true} : memref<32000xf32, #tpu.memory_space<vmem>>[vector<16xi32>], vector<16xf32>, vector<16xi1>
    } {sc.loop_unroll_factor = 2 : i64, sc.parallel_access}
    %mul3A_15 = arith.constant 32000 : i32
    %mul3A_16 = arith.muli %add3A, %mul3A_15 : i32
    %add3A_17 = arith.constant 0 : i32
    %add3A_18 = arith.addi %mul3A_16, %add3A_17 : i32
    %dma_start3A_19 = arith.constant 0 : i32
    %dma_start3A_20 = tpu.memref_slice %arg5[%dma_start3A_19] : memref<32000xf32, #tpu.memory_space<vmem>> -> memref<16000xf32, #tpu.memory_space<vmem>>
    %dma_start3A_21 = tpu.memref_slice %arg3[%add3A_18] : memref<1024000xf32, #tpu.memory_space<hbm>> -> memref<16000xf32, #tpu.memory_space<hbm>>
    %dma_start3A_22 = tpu.memref_slice %arg3[%add3A_18] : memref<1024000xf32, #tpu.memory_space<hbm>> -> memref<16000xf32, #tpu.memory_space<hbm>>
    %dma_start3A_23 = arith.constant 0 : i32
    %dma_start3A_24 = tpu.memref_slice %arg5[%dma_start3A_23] : memref<32000xf32, #tpu.memory_space<vmem>> -> memref<16000xf32, #tpu.memory_space<vmem>>
    tpu.enqueue_dma source(%dma_start3A_24 : memref<16000xf32, #tpu.memory_space<vmem>>) target(%dma_start3A_22 : memref<16000xf32, #tpu.memory_space<hbm>>) target_semaphore(%arg7 : memref<!tpu.dma_semaphore, #tpu.memory_space<semaphore_mem>>)
    %parallel_loop3A_25 = arith.constant 16000 : i32
    %parallel_loop3A_26 = arith.constant 32000 : i32
    %parallel_loop3A_27 = arith.constant 16 : i32
    scf.for %parallel_loop3A_53 = %parallel_loop3A_25 to %parallel_loop3A_26 step %parallel_loop3A_27  : i32 {
      %parallel_loop3A_54 = arith.index_cast %parallel_loop3A_53 : i32 to index
      %parallel_loop3A_55 = tpu.vector_load %arg5[%parallel_loop3A_54] {strides = array<i32>} : memref<32000xf32, #tpu.memory_space<vmem>>, vector<16xf32>,
      tpu.vector_store %arg5[%parallel_loop3A_54], %broadcast_in_dim3A_6 {strides = array<i32>} : memref<32000xf32, #tpu.memory_space<vmem>>, vector<16xf32>,
    } {sc.loop_unroll_factor = 8 : i64, sc.parallel_access}
    %parallel_loop3A_28 = arith.constant 16 : i32
    %parallel_loop3A_29 = arith.constant 32 : i32
    %parallel_loop3A_30 = arith.constant 1 : i32
    scf.for %parallel_loop3A_53 = %parallel_loop3A_28 to %parallel_loop3A_29 step %parallel_loop3A_30  : i32 {
      %parallel_loop3A_54 = arith.constant 1000 : i32
      %parallel_loop3A_55 = arith.muli %parallel_loop3A_53, %parallel_loop3A_54 : i32
      %parallel_loop3A_56 = arith.constant 50 : i32
      %parallel_loop3A_57 = arith.muli %parallel_loop3A_53, %parallel_loop3A_56 : i32
      %parallel_loop3A_58 = arith.constant 0 : i32
      %parallel_loop3A_59 = arith.addi %parallel_loop3A_57, %parallel_loop3A_58 : i32
      %parallel_loop3A_60 = arith.index_cast %parallel_loop3A_59 : i32 to index
      %parallel_loop3A_61 = tpu.vector_load %arg4[%parallel_loop3A_60] {strides = array<i32>} : memref<1600xi32, #tpu.memory_space<vmem>>, vector<16xi32>,
      %parallel_loop3A_62 = vector.broadcast %parallel_loop3A_55 : i32 to vector<16xi32>
      %parallel_loop3A_63 = arith.addi %parallel_loop3A_62, %parallel_loop3A_61 : vector<16xi32>
      tpu.vector_store_idx %arg5[%parallel_loop3A_63], %broadcast_in_dim3A_4 {add = true} : memref<32000xf32, #tpu.memory_space<vmem>>[vector<16xi32>], vector<16xf32>,
      %parallel_loop3A_64 = arith.constant 16 : i32
      %parallel_loop3A_65 = arith.addi %parallel_loop3A_57, %parallel_loop3A_64 : i32
      %parallel_loop3A_66 = arith.index_cast %parallel_loop3A_65 : i32 to index
      %parallel_loop3A_67 = tpu.vector_load %arg4[%parallel_loop3A_66] {strides = array<i32>} : memref<1600xi32, #tpu.memory_space<vmem>>, vector<16xi32>,
      %parallel_loop3A_68 = vector.broadcast %parallel_loop3A_55 : i32 to vector<16xi32>
      %parallel_loop3A_69 = arith.addi %parallel_loop3A_68, %parallel_loop3A_67 : vector<16xi32>
      tpu.vector_store_idx %arg5[%parallel_loop3A_69], %broadcast_in_dim3A_4 {add = true} : memref<32000xf32, #tpu.memory_space<vmem>>[vector<16xi32>], vector<16xf32>,
      %parallel_loop3A_70 = arith.constant 32 : i32
      %parallel_loop3A_71 = arith.addi %parallel_loop3A_57, %parallel_loop3A_70 : i32
      %parallel_loop3A_72 = arith.index_cast %parallel_loop3A_71 : i32 to index
      %parallel_loop3A_73 = tpu.vector_load %arg4[%parallel_loop3A_72] {strides = array<i32>} : memref<1600xi32, #tpu.memory_space<vmem>>, vector<16xi32>,
      %parallel_loop3A_74 = vector.broadcast %parallel_loop3A_55 : i32 to vector<16xi32>
      %parallel_loop3A_75 = arith.addi %parallel_loop3A_74, %parallel_loop3A_73 : vector<16xi32>
      tpu.vector_store_idx %arg5[%parallel_loop3A_75], %broadcast_in_dim3A_4 {add = true} : memref<32000xf32, #tpu.memory_space<vmem>>[vector<16xi32>], vector<16xf32>,
      %parallel_loop3A_76 = arith.constant 34 : i32
      %parallel_loop3A_77 = arith.addi %parallel_loop3A_57, %parallel_loop3A_76 : i32
      %parallel_loop3A_78 = arith.index_cast %parallel_loop3A_77 : i32 to index
      %parallel_loop3A_79 = tpu.vector_load %arg4[%parallel_loop3A_78] {strides = array<i32>} : memref<1600xi32, #tpu.memory_space<vmem>>, vector<16xi32>,
      %parallel_loop3A_80 = vector.broadcast %parallel_loop3A_55 : i32 to vector<16xi32>
      %parallel_loop3A_81 = arith.addi %parallel_loop3A_80, %parallel_loop3A_79 : vector<16xi32>
      tpu.vector_store_idx %arg5[%parallel_loop3A_81], %broadcast_in_dim3A_4 masked %ge3A_8 {add = true} : memref<32000xf32, #tpu.memory_space<vmem>>[vector<16xi32>], vector<16xf32>, vector<16xi1>
    } {sc.loop_unroll_factor = 2 : i64, sc.parallel_access}
    %mul3A_31 = arith.constant 32000 : i32
    %mul3A_32 = arith.muli %add3A, %mul3A_31 : i32
    %add3A_33 = arith.constant 16000 : i32
    %add3A_34 = arith.addi %mul3A_32, %add3A_33 : i32
    %dma_start3A_35 = arith.constant 16000 : i32
    %dma_start3A_36 = tpu.memref_slice %arg5[%dma_start3A_35] : memref<32000xf32, #tpu.memory_space<vmem>> -> memref<16000xf32, #tpu.memory_space<vmem>>
    %dma_start3A_37 = tpu.memref_slice %arg3[%add3A_34] : memref<1024000xf32, #tpu.memory_space<hbm>> -> memref<16000xf32, #tpu.memory_space<hbm>>
    %dma_start3A_38 = tpu.memref_slice %arg3[%add3A_34] : memref<1024000xf32, #tpu.memory_space<hbm>> -> memref<16000xf32, #tpu.memory_space<hbm>>
    %dma_start3A_39 = arith.constant 16000 : i32
    %dma_start3A_40 = tpu.memref_slice %arg5[%dma_start3A_39] : memref<32000xf32, #tpu.memory_space<vmem>> -> memref<16000xf32, #tpu.memory_space<vmem>>
    tpu.enqueue_dma source(%dma_start3A_40 : memref<16000xf32, #tpu.memory_space<vmem>>) target(%dma_start3A_38 : memref<16000xf32, #tpu.memory_space<hbm>>) target_semaphore(%arg7 : memref<!tpu.dma_semaphore, #tpu.memory_space<semaphore_mem>>)
    %dma_wait3A_41 = arith.constant 0 : i32
    %dma_wait3A_42 = tpu.memref_slice %arg5[%dma_wait3A_41] : memref<32000xf32, #tpu.memory_space<vmem>> -> memref<16000xf32, #tpu.memory_space<vmem>>
    %dma_wait3A_43 = tpu.memref_slice %arg3[%add3A_18] : memref<1024000xf32, #tpu.memory_space<hbm>> -> memref<16000xf32, #tpu.memory_space<hbm>>
    %dma_wait3A_44 = tpu.memref_slice %arg3[%add3A_18] : memref<1024000xf32, #tpu.memory_space<hbm>> -> memref<16000xf32, #tpu.memory_space<hbm>>
    %dma_wait3A_45 = arith.constant 0 : i32
    %dma_wait3A_46 = tpu.memref_slice %arg5[%dma_wait3A_45] : memref<32000xf32, #tpu.memory_space<vmem>> -> memref<16000xf32, #tpu.memory_space<vmem>>
    tpu.wait_dma2 semaphore(%arg7 : memref<!tpu.dma_semaphore, #tpu.memory_space<semaphore_mem>>) src(%dma_wait3A_46 : memref<16000xf32, #tpu.memory_space<vmem>>) dst(%dma_wait3A_44 : memref<16000xf32, #tpu.memory_space<hbm>>)
    %dma_wait3A_47 = arith.constant 16000 : i32
    %dma_wait3A_48 = tpu.memref_slice %arg5[%dma_wait3A_47] : memref<32000xf32, #tpu.memory_space<vmem>> -> memref<16000xf32, #tpu.memory_space<vmem>>
    %dma_wait3A_49 = tpu.memref_slice %arg3[%add3A_34] : memref<1024000xf32, #tpu.memory_space<hbm>> -> memref<16000xf32, #tpu.memory_space<hbm>>
    %dma_wait3A_50 = tpu.memref_slice %arg3[%add3A_34] : memref<1024000xf32, #tpu.memory_space<hbm>> -> memref<16000xf32, #tpu.memory_space<hbm>>
    %dma_wait3A_51 = arith.constant 16000 : i32
    %dma_wait3A_52 = tpu.memref_slice %arg5[%dma_wait3A_51] : memref<32000xf32, #tpu.memory_space<vmem>> -> memref<16000xf32, #tpu.memory_space<vmem>>
    tpu.wait_dma2 semaphore(%arg7 : memref<!tpu.dma_semaphore, #tpu.memory_space<semaphore_mem>>) src(%dma_wait3A_52 : memref<16000xf32, #tpu.memory_space<vmem>>) dst(%dma_wait3A_50 : memref<16000xf32, #tpu.memory_space<hbm>>)
    return
  }
}

</mosaic_0001>

<sc_bundles>
// kernel: kernel.3.cloned.1.call-start
scs
__scs_entry_jumppad:
0x0: {  	(pc) =	sbr.rel $0x88, $3  }
0x1: {  	(tag) =	ssettag $0x0;
	lr =	simm.s32 $0x1  }
0x2: {  	[smem:$0x3FA0] =	sst lr;
	_ =	strace $0xD0000000  }
0x3: {  	_ = 	snop  }
0x4: {  	_ = 	snop  }
0x5: {  	_ = 	snop  }
0x6: {  	_ = 	snop  }
0x7: {  	_ = 	snop  }
__scs_overlays_trampoline_lowered:
0x8: {  	[smem:$0x3FAF] =	sst s0  }
0x9: {  	[smem:$0x3FB0] =	sst s1  }
0xa: {  	[smem:$0x3FB1] =	sst s2  }
0xb: {  	[smem:$0x3FB2] =	sst s3  }
0xc: {  	[smem:$0x3FB3] =	sst s4  }
0xd: {  	[smem:$0x3FB4] =	sst s5  }
0xe: {  	[smem:$0x3FB5] =	sst s6  }
0xf: {  	[smem:$0x3FB6] =	sst s7  }
0x10: {  	[smem:$0x3FB7] =	sst s8  }
0x11: {  	[smem:$0x3FB8] =	sst s9;
	s0 =	simm.s32 @!p0 $0x0  }
0x12: {  	s1 =	sld [smem:$0x3F9E];
	s0 =	simm.s32 @p0 $0x1  }
0x13: {  	[smem:$0x3FB9] =	sst s0;
	s0 =	simm.s32 @!p1 $0x0  }
0x14: {  	s2 =	sld [smem:$0x3F9D];
	s0 =	simm.s32 @p1 $0x1  }
0x15: {  	[smem:$0x3FBA] =	sst s0;
	s0 =	simm.s32 @!p2 $0x0  }
0x16: {  	s3 =	sld [smem:$0x3FDB];
	s0 =	simm.s32 @p2 $0x1  }
0x17: {  	s4 =	simm.s32 $0x1BF5;
	[smem:$0x3FBC] =	sst s0  }
0x18: {  	s0 =	sld [smem:$0x3F9F];
	_ =	swait.ge [sflag:s4], $0x0  }
0x19: {  	s7 =	sld [smem:$0x3FA0]  }
0x1a: {  	s8 =	sadd.s32 $0xFFFFE003, lr  }
0x1b: {  	s9 =	sadd.s32 $0xFFFFFEF7, lr;
	s5 =	simm.s32 $0xFFFFFFFF;
	p2 =	slt.u32 s8, $0xFFFFF086  }
0x1c: {  	p1 =	slt.u32 s9, $0xF7A;
	s5 =	simm.s32 @!p2 $0x0  }
0x1d: {  	s5 =	simm.s32 @p1 $0x1;
	p0 =	seq.s32 s7, s2  }
0x1e: {  	s7 =	smul.u32 @!p0 $0xF7A, s2;
	p2 =	seq.s32 @!p0 s5, $0x0  }
0x1f: {  	s9 =	smul.u32 $0xF7A, s1;
	s8 =	simm.s32 @!p0 $0x1BF5;
	p2 =	por !p2, p0  }
0x20: {  	[sflag:s8] =	ssyncset.s32 @!p0 $0xFFFFF086;
	s6 =	sadd.s32 @!p0 s3, s7;
	s7 =	simm.s32 @!p0 $0x108  }
0x21: {  	s3 =	sadd.s32 s3, s9;
	s6 =	sadd.s32 @!p0 $0x88, s6;
	s7 =	simm.s32 @p2 $0x1082  }
0x22: {  	[simem:s7], [sflag:s8] =	dma.local @!p0 [hbm:s6], $0xF7A  }
0x23: {  	s9 =	sor.u32 $0xD0000000, s2;
	s6 =	simm.s32 $0x108;
	_ =	swait.ge @!p0 [sflag:s8], $0x0  }
0x24: {  	s3 =	sadd.s32 $0x88, s3;
	s6 =	simm.s32 @!p1 $0x1082;
	[sflag:s4] =	ssyncset.s32 $0xFFFFF086  }
0x25: {  	[simem:s6], [sflag:s4] =	dma.local [hbm:s3], $0xF7A  }
0x26: {  	[smem:$0x3FA0] =	sst s1;
	(tag) =	ssettag s2;
	_ =	strace s9  }
0x27: {  	s1 =	sld [smem:$0x3FB0]  }
0x28: {  	s2 =	sld [smem:$0x3FB1]  }
0x29: {  	s4 =	sld [smem:$0x3FB3]  }
0x2a: {  	p0 =	seq.s32 s5, $0x0;
	s5 =	sld [smem:$0x3FB4]  }
0x2b: {  	s6 =	sld [smem:$0x3FB5]  }
0x2c: {  	s7 =	sld [smem:$0x3FB6]  }
0x2d: {  	s3 =	simm.s32 $0x108;
	s8 =	sld [smem:$0x3FB7]  }
0x2e: {  	s3 =	simm.s32 @!p0 $0x1082;
	s9 =	sld [smem:$0x3FB8]  }
0x2f: {  	lr =	sadd.s32 s0, s3;
	s0 =	sld [smem:$0x3FAF]  }
0x30: {  	s3 =	sld [smem:$0x3FB2]  }
0x31: {  	[smem:$0x3FBB] =	sst s10  }
0x32: {  	s10 =	sld [smem:$0x3FB9];
	_ =	sdelay $0x3  }
0x33: {  	p0 =	seq.s32 s10, $0x1;
	s10 =	sld [smem:$0x3FBB];
	_ =	sdelay $0x3  }
0x34: {  	[smem:$0x3FBB] =	sst s10  }
0x35: {  	s10 =	sld [smem:$0x3FBA];
	_ =	sdelay $0x3  }
0x36: {  	p1 =	seq.s32 s10, $0x1;
	s10 =	sld [smem:$0x3FBB];
	_ =	sdelay $0x3  }
0x37: {  	[smem:$0x3FBB] =	sst s10  }
0x38: {  	s10 =	sld [smem:$0x3FBC]  }
0x39: {  	_ = 	snop;
	(pc) =	sbr.ind lr, $3  }
0x3a: {  	_ = 	snop  }
0x3b: {  	_ = 	snop  }
0x3c: {  	p2 =	seq.s32 s10, $0x1;
	s10 =	sld [smem:$0x3FBB]  }
0x3d: {  	_ =	shalt  }
0x3e: {  	_ =	shalt  }
0x3f: {  	_ =	shalt  }
0x40: {  	_ =	shalt  }
0x41: {  	_ =	shalt  }
0x42: {  	_ =	shalt  }
0x43: {  	_ =	shalt  }
0x44: {  	_ =	shalt  }
0x45: {  	_ =	shalt  }
0x46: {  	_ =	shalt  }
0x47: {  	_ =	shalt  }
0x48: {  	_ =	shalt  }
0x49: {  	_ =	shalt  }
0x4a: {  	_ =	shalt  }
0x4b: {  	_ =	shalt  }
0x4c: {  	_ =	shalt  }
0x4d: {  	_ =	shalt  }
0x4e: {  	_ =	shalt  }
0x4f: {  	_ =	shalt  }
0x50: {  	_ =	shalt  }
0x51: {  	_ =	shalt  }
0x52: {  	_ =	shalt  }
0x53: {  	_ =	shalt  }
0x54: {  	_ =	shalt  }
0x55: {  	_ =	shalt  }
0x56: {  	_ =	shalt  }
0x57: {  	_ =	shalt  }
0x58: {  	_ =	shalt  }
0x59: {  	_ =	shalt  }
0x5a: {  	_ =	shalt  }
0x5b: {  	_ =	shalt  }
0x5c: {  	_ =	shalt  }
0x5d: {  	_ =	shalt  }
0x5e: {  	_ =	shalt  }
0x5f: {  	_ =	shalt  }
0x60: {  	_ =	shalt  }
0x61: {  	_ =	shalt  }
0x62: {  	_ =	shalt  }
0x63: {  	_ =	shalt  }
0x64: {  	_ =	shalt  }
0x65: {  	_ =	shalt  }
0x66: {  	_ =	shalt  }
0x67: {  	_ =	shalt  }
0x68: {  	_ =	shalt  }
0x69: {  	_ =	shalt  }
0x6a: {  	_ =	shalt  }
0x6b: {  	_ =	shalt  }
0x6c: {  	_ =	shalt  }
0x6d: {  	_ =	shalt  }
0x6e: {  	_ =	shalt  }
0x6f: {  	_ =	shalt  }
0x70: {  	_ =	shalt  }
0x71: {  	_ =	shalt  }
0x72: {  	_ =	shalt  }
0x73: {  	_ =	shalt  }
0x74: {  	_ =	shalt  }
0x75: {  	_ =	shalt  }
0x76: {  	_ =	shalt  }
0x77: {  	_ =	shalt  }
0x78: {  	_ =	shalt  }
0x79: {  	_ =	shalt  }
0x7a: {  	_ =	shalt  }
0x7b: {  	_ =	shalt  }
0x7c: {  	_ =	shalt  }
0x7d: {  	_ =	shalt  }
0x7e: {  	_ =	shalt  }
0x7f: {  	_ =	shalt  }
0x80: {  	_ =	shalt  }
0x81: {  	_ =	shalt  }
0x82: {  	_ =	shalt  }
0x83: {  	_ =	shalt  }
0x84: {  	_ =	shalt  }
0x85: {  	_ =	shalt  }
0x86: {  	_ =	shalt  }
0x87: {  	_ =	shalt  }
.Lfunc_end0:
.L_simem_size_0:
called_computation_lowered:
.L_overlay_start_0:
0x88: {  	s2 =	sld [smem:$0x3FD9]  }
0x89: {  	s3 =	sld [smem:$0x3FFE];
	_ =	sdelay $0x1  }
0x8a: {  	s1 =	srdreg.scid  }
0x8b: {  	s0 =	sand.u32 $0x1, s1  }
0x8c: {  	s17 =	sshll.u32 s0, $0xA;
	s2 =	sadd.s32 s3, s2  }
0x8d: {  	s2 =	sadd.s32 s2, s17  }
0x8e: {  	[smem:$0x3FC7] =	sst s2  }
0x8f: {  	_ = 	snop  }
0x90: {  	s2 =	sld [smem:$0x3FD0];
	(tm) =	ssettm $0x1  }
0x91: {  	s18 =	sld [smem:$0x3FFB];
	_ =	sdelay $0x3  }
0x92: {  	_ =	strace s18  }
0x93: {  	s3 =	sld [smem:$0x3FFC];
	_ =	sdelay $0x3  }
0x94: {  	_ =	strace s3  }
0x95: {  	s3 =	sld [smem:$0x3FFD];
	_ =	sdelay $0x3  }
0x96: {  	_ =	strace s3  }
0x97: {  	_ =	strace $0x8FFFFFFF  }
0x98: {  	s19 =	sld [smem:$0x3FDB];
	_ =	sdelay $0x1  }
0x99: {  	s4 =	simm.s32 $_scs_section_size  }
0x9a: {  	s5 =	simm.s32 $_size__tile_overlayer_lowered;
	s6 =	simm.s32 $_tile_overlayer_lowered  }
0x9b: {  	s22 =	simm.s32 $0x1BFF;
	s21 =	sshll.u32 s6, $0x1;
	s3 =	sadd.s32 s4, s19  }
0x9c: {  	s7 =	simm.s32 $0x0;
	s20 =	sshll.u32 s5, $0x1;
	s5 =	sadd.s32 s21, s3  }
0x9d: {  	[timem:s7], [sflag:s22] =	dma.local [hbm:s5], s20  }
0x9e: {  	_ =	swait.ge [sflag:s22], s20  }
0x9f: {  	s4 =	ssub.s32 $0x0, s20;
	[sflag:s22] =	ssyncset.done $0x0  }
0xa0: {  	[sflag:s22] =	ssyncadd.s32 s4;
	_ =	sdelay $0x1  }
0xa1: {  	s23 =	simm.s32 $0x1B8B  }
0xa2: {  	_ =	swait.ge [sflag:s23], $0x1  }
0xa3: {  	[sflag:s23] =	ssyncset.done $0x0  }
0xa4: {  	s25 =	simm.s32 $0x1B8E;
	s24 =	sld [smem:$0x3FFE];
	[sflag:s23] =	ssyncadd.s32 $0xFFFFFFFF  }
0xa5: {  	s26 =	simm.s32 $execute0_lowered;
	[smem:$0x3FD2] =	sst s25  }
0xa6: {  	s5 =	sshll.u32 s26, $0x1;
	_ =	strace $0x80000046;
	[dreg:$0x1] =	wrdreg $0xFFFFFFFF  }
0xa7: {  	s28 =	simm.s32 $_size_execute0_lowered;
	s3 =	sadd.s32 s3, s5;
	[dreg:$0x0] =	wrdreg $0x0  }
0xa8: {  	s5 =	sshll.u32 s28, $0x1;
	[dreg:$0x2] =	wrdreg s3  }
0xa9: {  	[dreg:$0x3] =	wrdreg s5  }
0xaa: {  	[dreg:$0x4] =	wrdreg $0xC0  }
0xab: {  	_ =	task [dreg:s7], $0x5FFFF  }
0xac: {  	[dreg:$0x1] =	wrdreg $0xFFFFFFFF  }
0xad: {  	[dreg:$0x0] =	wrdreg $0x60  }
0xae: {  	[dreg:$0x2] =	wrdreg s24  }
0xaf: {  	[dreg:$0x3] =	wrdreg s2  }
0xb0: {  	[dreg:$0x4] =	wrdreg $0x9  }
0xb1: {  	_ =	task.clear_ibuf [dreg:s7], $0x5FFFF;
	_ =	strace $0x90000046  }
0xb2: {  	s29 =	simm.s32 $0x9;
	_ =	strace $0x80000048  }
0xb3: {  	_ =	swait.ge [sflag:s29], $0x1  }
0xb4: {  	[sflag:s29] =	ssyncadd.s32 $0xFFFFFFFF  }
0xb5: {  	_ =	strace $0x90000048  }
0xb6: {  	_ =	sfence  }
0xb7: {  	s30 =	sld [smem:$0x0];
	_ =	sdelay $0x2  }
0xb8: {  	s31 =	sshll.u32 s1, $0xD;
	s1 =	sshrl.u32 s1, $0x2  }
0xb9: {  	s3 =	sand.u32 $0x4000, s31;
	s1 =	sadd.s32 s1, s30  }
0xba: {  	s0 =	sor.u32 s3, s0;
	s1 =	sshll.u32 s1, $0x11  }
0xbb: {  	s0 =	sor.u32 s1, s0  }
0xbc: {  	s0 =	sadd.s32 $0x8F2B, s0  }
0xbd: {  	[sflag:s0] =	ssyncadd.remote.s32 $0x1  }
0xbe: {  	_ =	sfence.sel $0xFFFF  }
0xbf: {  	[dreg:$0x0] =	wrdreg $0xFFFFFFFF;
	(pc) =	sbr.abs _section_cstart, $3  }
0xc0: {  	[dreg:$0x1] =	wrdreg $0xFFFFFFFF  }
0xc1: {  	_ =	task.clear_ibuf [dreg:s7], $0x2FFFF;
	_ =	strace $0x9FFFFFFF  }
0xc2: {  	(tm) =	ssettm $0x7FFFFFFF  }
0xc3: {  	_ =	shalt  }
tec
execute0_lowered:
.L_overlay_start_1:
0x0: {  	(tag) =	ssettag $0x1  }
0x1: {  	s1 =	srdreg.scid  }
0x2: {  	s0 =	stileid.u32;
	s3 =	rddreg [dreg:$0x0]  }
0x3: {  	s5 =	rddreg [dreg:$0x1];
	s4 =	sand.u32 $0x1, s1;
	s30 =	sshll.u32 s0, $0x1  }
0x4: {  	s2 =	simm.s32 $0x0;
	s9 =	simm.s32 $0x44C0;
	s6 =	sor.u32 s4, s30  }
0x5: {  	s10 =	simm.s32 $0x2;
	s11 =	simm.s32 $0x0;
	s7 =	smul.u32 $0x7D00, s6  }
0x6: {  	[smem:$0x7FF] =	sst s2;
	s4 =	ssub.s32 $0x2, s4;
	s6 =	smul.u32 $0xC8, s6  }
0x7: {  	s1 =	rddreg [dreg:$0x2];
	_ =	strace $0x80000047;
	s8 =	sshrl.u32 s4, $0x1  }
0x8: {  	s31 =	ssub.s32 s4, s8;
	s7 =	sshrl.u32 s7, $0x3;
	s6 =	sadd.s32 s6, s3  }
0x9: {  	s8 =	simm.s32 $0x640;
	s3 =	sadd.s32 s5, s7;
	s4 =	sadd.s32 $0x400, s6  }
0xa: {  	v0 =	vimm.f32 $0.0e+00;
	v1 =	vimm.f32 $1.000000000e+00;
	vm0 =	vcmask $0x3F38;
	s6 =	smax.u32 s31, $0x1;
	s7 =	simm.s32 $0x1;
	s5 =	sadd.s32 $0x7D0, s3  }
.LBB2_1:
0xb: {  	[tilespmem:s2], [sflag:$0x1] =	stream.linear.gather [hbm4b:s4+s2], $0x640, $0x38;
	[tilespmem:$0x8340] =	vst v63  }
0xc: {  	s12 =	simm.s32 $0x680  }
0xd: {  	[tilespmem:s12+$0xFFFFFFC0] =	vst v0  }
0xe: {  	[tilespmem:s12+$0x30] =	vst v0  }
0xf: {  	[tilespmem:s12+$0x20] =	vst v0  }
0x10: {  	[tilespmem:s12+$0x10] =	vst v0  }
0x11: {  	[tilespmem:s12+$0x0] =	vst v0  }
0x12: {  	[tilespmem:s12+$0xFFFFFFF0] =	vst v0  }
0x13: {  	s13 =	simm.s32 $0x0;
	[tilespmem:s12+$0xFFFFFFE0] =	vst v0  }
.LBB2_2:
0x14: {  	s13 =	sadd.s32 $0x80, s13;
	[tilespmem:s12+$0xFFFFFFD0] =	vst v0;
	s12 =	sadd.s32 $0x80, s12  }
0x15: {  	[tilespmem:s12+$0xFFFFFFC0] =	vst v0;
	p0 =	slt.u32 s13, $0x3E00  }
0x16: {  	[tilespmem:s12+$0x30] =	vst v0  }
.Ltmp0:
0x17: {  	[tilespmem:s12+$0x20] =	vst v0;
	(pc) =	sbr.rel @p0 .LBB2_2-.Ltmp0, $4  }
0x18: {  	[tilespmem:s12+$0x10] =	vst v0  }
0x19: {  	[tilespmem:s12+$0x0] =	vst v0  }
0x1a: {  	[tilespmem:s12+$0xFFFFFFF0] =	vst v0  }
0x1b: {  	[tilespmem:s12+$0xFFFFFFE0] =	vst v0  }
0x1c: {  	[tilespmem:s12+$0xFFFFFFD0] =	vst v0  }
0x1d: {  	_ =	swait.ge [sflag:s7], $0x640  }
0x1e: {  	[sflag:s7] =	ssyncset.done $0x0  }
0x1f: {  	s14 =	simm.s32 $0x32;
	[sflag:s7] =	ssyncadd.s32 $0xFFFFF9C0  }
0x20: {  	v2 =	vld [tilespmem:s14+$0x0];
	_ =	sdelay $0x2  }
0x21: {  	v3 =	vld [tilespmem:s14+$0xFFFFFFCE]  }
0x22: {  	s12 =	simm.s32 $0x3E8  }
0x23: {  	v2 =	vadd.s32 s12, v2;
	_ =	sdelay $0x1  }
0x24: {  	s13 =	simm.s32 $0x0  }
0x25: {  	v3 =	vadd.s32 s13, v3;
	_ =	sdelay $0x1  }
0x26: {  	s18 =	sand.u32 $0x3FE, s14;
	[tilespmem:v2+s8+$0x0] =	vst.idx.add.f32.msk $0xffff, v1  }
0x27: {  	v2 =	vld [tilespmem:s18+$0x10]  }
0x28: {  	s15 =	simm.s32 $0x0  }
0x29: {  	s19 =	sand.u32 $0x3FC, s15;
	[tilespmem:v3+s8+$0x0] =	vst.idx.add.f32.msk $0xffff, v1  }
0x2a: {  	v3 =	vld [tilespmem:s19+$0x10]  }
0x2b: {  	s15 =	simm.s32 $0x96  }
0x2c: {  	v4 =	vld [tilespmem:s15+$0x0];
	v2 =	vadd.s32 s12, v2;
	_ =	sdelay $0x1  }
0x2d: {  	v5 =	vld [tilespmem:s15+$0xFFFFFFCE]  }
0x2e: {  	v3 =	vadd.s32 s13, v3  }
0x2f: {  	s17 =	simm.s32 $0xBB8  }
0x30: {  	v4 =	vadd.s32 s17, v4;
	[tilespmem:v2+s8+$0x0] =	vst.idx.add.f32.msk $0xffff, v1  }
0x31: {  	s16 =	simm.s32 $0x7D0;
	v2 =	vld [tilespmem:s18+$0x20]  }
0x32: {  	v5 =	vadd.s32 s16, v5  }
0x33: {  	[tilespmem:v3+s8+$0x0] =	vst.idx.add.f32.msk $0xffff, v1  }
0x34: {  	v6 =	vld [tilespmem:s19+$0x20]  }
0x35: {  	s21 =	sand.u32 $0x3FE, s15;
	[tilespmem:v4+s8+$0x0] =	vst.idx.add.f32.msk $0xffff, v1  }
0x36: {  	s31 =	simm.s32 $0x64;
	v4 =	vld [tilespmem:s21+$0x10];
	v3 =	vadd.s32 s12, v2  }
0x37: {  	s20 =	sand.u32 $0x3FC, s31;
	[tilespmem:v5+s8+$0x0] =	vst.idx.add.f32.msk $0xffff, v1  }
0x38: {  	s22 =	simm.s32 $0xFA;
	v5 =	vld [tilespmem:s20+$0x10]  }
0x39: {  	s23 =	simm.s32 $0x96;
	s19 =	simm.s32 $0x2;
	s18 =	simm.s32 $0xBB8;
	v2 =	vadd.s32 s13, v6  }
.LBB2_4:
0x3a: {  	v6 =	vld [tilespmem:s22+$0x0]  }
0x3b: {  	s19 =	sadd.s32 $0x2, s19;
	v4 =	vadd.s32 s17, v4;
	[tilespmem:v3+s8+$0x0] =	vst.idx.add.f32.msk $0xffff, v1  }
0x3c: {  	p0 =	slt.u32 s19, $0xE;
	v3 =	vld [tilespmem:s14+$0x22]  }
0x3d: {  	v7 =	vld [tilespmem:s22+$0xFFFFFFCE];
	v5 =	vadd.s32 s16, v5  }
0x3e: {  	s17 =	sadd.s32 $0x7D0, s17;
	[tilespmem:v2+s8+$0x0] =	vst.idx.add.f32.msk $0xffff, v1  }
0x3f: {  	s24 =	sadd.s32 $0xFFFFFC18, s17;
	v2 =	vadd.s32 s17, v6;
	v6 =	vld [tilespmem:s14+$0xFFFFFFF0];
	s14 =	smov.u32 s15;
	s15 =	smov.u32 s22  }
0x40: {  	[tilespmem:v4+s8+$0x0] =	vst.idx.add.f32.msk $0xffff, v1  }
0x41: {  	v8 =	vld [tilespmem:s21+$0x20];
	v9 =	vadd.s32 s12, v3;
	s12 =	smov.u32 s18;
	s18 =	smov.u32 s17  }
0x42: {  	v7 =	vadd.s32 s24, v7;
	[tilespmem:v5+s8+$0x0] =	vst.idx.add.f32.msk $0xffff, v1  }
0x43: {  	s23 =	sadd.s32 $0x64, s23;
	v10 =	vld [tilespmem:s20+$0x20]  }
0x44: {  	s21 =	sand.u32 $0x3FE, s23;
	s20 =	sadd.s32 $0xFFFFFFCE, s23;
	[tilespmem:v2+s8+$0x0] =	vst.idx.add.f32.msk $0xffff, v1;
	v6 =	vadd.s32 s13, v6;
	s13 =	smov.u32 s16  }
.Ltmp1:
0x45: {  	s20 =	sand.u32 $0x3FC, s20;
	s16 =	smov.u32 s24;
	v4 =	vld [tilespmem:s21+$0x10];
	(pc) =	sbr.rel @p0 .LBB2_4-.Ltmp1, $4  }
0x46: {  	v3 =	vadd.s32 s12, v8;
	[tilespmem:v9+s8+$0x0] =	vst.idx.add.f32.msk vm0, v1  }
0x47: {  	[tilespmem:v7+s8+$0x0] =	vst.idx.add.f32.msk $0xffff, v1  }
0x48: {  	v5 =	vld [tilespmem:s20+$0x10];
	v2 =	vadd.s32 s13, v10  }
0x49: {  	s22 =	sadd.s32 $0x64, s22;
	[tilespmem:v6+s8+$0x0] =	vst.idx.add.f32.msk vm0, v1  }
0x4a: {  	_ = 	snop  }
0x4b: {  	v4 =	vadd.s32 s17, v4;
	_ =	sdelay $0x1  }
0x4c: {  	v5 =	vadd.s32 s16, v5;
	_ =	sdelay $0x2  }
0x4d: {  	[tilespmem:v4+s8+$0x0] =	vst.idx.add.f32.msk $0xffff, v1  }
0x4e: {  	v4 =	vld [tilespmem:s21+$0x20]  }
0x4f: {  	[tilespmem:v5+s8+$0x0] =	vst.idx.add.f32.msk $0xffff, v1  }
0x50: {  	v5 =	vld [tilespmem:s20+$0x20];
	_ =	sdelay $0x2  }
0x51: {  	v4 =	vadd.s32 s18, v4  }
0x52: {  	[tilespmem:v3+s8+$0x0] =	vst.idx.add.f32.msk $0xffff, v1  }
0x53: {  	[tilespmem:v2+s8+$0x0] =	vst.idx.add.f32.msk $0xffff, v1;
	v5 =	vadd.s32 s16, v5  }
0x54: {  	v3 =	vld [tilespmem:s14+$0x22]  }
0x55: {  	v2 =	vld [tilespmem:s14+$0xFFFFFFF0]  }
0x56: {  	[tilespmem:v4+s8+$0x0] =	vst.idx.add.f32.msk $0xffff, v1  }
0x57: {  	v4 =	vld [tilespmem:s15+$0x22]  }
0x58: {  	[tilespmem:v5+s8+$0x0] =	vst.idx.add.f32.msk $0xffff, v1  }
0x59: {  	v5 =	vld [tilespmem:s15+$0xFFFFFFF0];
	_ =	sdelay $0x1  }
0x5a: {  	v3 =	vadd.s32 s12, v3  }
0x5b: {  	v2 =	vadd.s32 s13, v2  }
0x5c: {  	v4 =	vadd.s32 s18, v4  }
0x5d: {  	v5 =	vadd.s32 s16, v5;
	_ =	sdelay $0x1  }
0x5e: {  	[tilespmem:v3+s8+$0x0] =	vst.idx.add.f32.msk vm0, v1  }
0x5f: {  	[tilespmem:v2+s8+$0x0] =	vst.idx.add.f32.msk vm0, v1  }
0x60: {  	[tilespmem:v4+s8+$0x0] =	vst.idx.add.f32.msk vm0, v1  }
0x61: {  	s14 =	simm.s32 $0x4530;
	[tilespmem:v5+s8+$0x0] =	vst.idx.add.f32.msk vm0, v1  }
0x62: {  	[hbm4b:s3+s2] =	stream.linear.scatter [tilespmem:s8], [sflag:$0x2], $0x3E80, $0x38;
	[tilespmem:$0x8340] =	vst v63  }
0x63: {  	[tilespmem:s14+$0xFFFFFF90] =	vst v0  }
0x64: {  	[tilespmem:s14+$0x0] =	vst v0  }
0x65: {  	[tilespmem:s14+$0xFFFFFFF0] =	vst v0  }
0x66: {  	[tilespmem:s14+$0xFFFFFFE0] =	vst v0  }
0x67: {  	[tilespmem:s14+$0xFFFFFFD0] =	vst v0  }
0x68: {  	s12 =	simm.s32 $0x4268;
	[tilespmem:s14+$0xFFFFFFC0] =	vst v0  }
0x69: {  	s13 =	simm.s32 $0x320;
	s15 =	simm.s32 $0x352;
	s16 =	simm.s32 $0x3E80;
	[tilespmem:s14+$0xFFFFFFB0] =	vst v0  }
.LBB2_6:
0x6a: {  	s16 =	sadd.s32 $0x80, s16;
	[tilespmem:s14+$0xFFFFFFA0] =	vst v0;
	s14 =	sadd.s32 $0x80, s14  }
0x6b: {  	[tilespmem:s14+$0xFFFFFF90] =	vst v0;
	p0 =	slt.u32 s16, $0x7C80  }
0x6c: {  	[tilespmem:s14+$0x0] =	vst v0  }
.Ltmp2:
0x6d: {  	[tilespmem:s14+$0xFFFFFFF0] =	vst v0;
	(pc) =	sbr.rel @p0 .LBB2_6-.Ltmp2, $4  }
0x6e: {  	[tilespmem:s14+$0xFFFFFFE0] =	vst v0  }
0x6f: {  	[tilespmem:s14+$0xFFFFFFD0] =	vst v0  }
0x70: {  	[tilespmem:s14+$0xFFFFFFC0] =	vst v0  }
0x71: {  	[tilespmem:s14+$0xFFFFFFB0] =	vst v0  }
0x72: {  	[tilespmem:s14+$0xFFFFFFA0] =	vst v0  }
0x73: {  	v2 =	vld [tilespmem:s13+$0x32];
	_ =	sdelay $0x2  }
0x74: {  	v3 =	vld [tilespmem:s13+$0x0];
	_ =	sdelay $0x1  }
0x75: {  	v2 =	vadd.s32 s12, v2;
	_ =	sdelay $0x1  }
0x76: {  	s14 =	simm.s32 $0x3E80  }
0x77: {  	v3 =	vadd.s32 s14, v3;
	_ =	sdelay $0x1  }
0x78: {  	s18 =	sand.u32 $0x7FE, s15;
	[tilespmem:v2+s8+$0x0] =	vst.idx.add.f32.msk $0xffff, v1  }
0x79: {  	v2 =	vld [tilespmem:s18+$0x10]  }
0x7a: {  	s30 =	simm.s32 $0x320  }
0x7b: {  	s19 =	sand.u32 $0x7FC, s30;
	[tilespmem:v3+s8+$0x0] =	vst.idx.add.f32.msk $0xffff, v1  }
0x7c: {  	v3 =	vld [tilespmem:s19+$0x10]  }
0x7d: {  	s15 =	simm.s32 $0x384  }
0x7e: {  	v4 =	vld [tilespmem:s15+$0x32];
	v2 =	vadd.s32 s12, v2;
	_ =	sdelay $0x1  }
0x7f: {  	v5 =	vld [tilespmem:s15+$0x0]  }
0x80: {  	v3 =	vadd.s32 s14, v3  }
0x81: {  	s17 =	simm.s32 $0x4A38  }
0x82: {  	v4 =	vadd.s32 s17, v4;
	[tilespmem:v2+s8+$0x0] =	vst.idx.add.f32.msk $0xffff, v1  }
0x83: {  	s16 =	simm.s32 $0x4650;
	v2 =	vld [tilespmem:s18+$0x20]  }
0x84: {  	v5 =	vadd.s32 s16, v5  }
0x85: {  	[tilespmem:v3+s8+$0x0] =	vst.idx.add.f32.msk $0xffff, v1  }
0x86: {  	v6 =	vld [tilespmem:s19+$0x20];
	s19 =	simm.s32 $0x3B6  }
0x87: {  	[tilespmem:v4+s8+$0x0] =	vst.idx.add.f32.msk $0xffff, v1;
	s22 =	sand.u32 $0x7FE, s19  }
0x88: {  	s31 =	simm.s32 $0x384;
	v4 =	vld [tilespmem:s22+$0x10];
	v3 =	vadd.s32 s12, v2  }
0x89: {  	s21 =	sand.u32 $0x7FC, s31;
	[tilespmem:v5+s8+$0x0] =	vst.idx.add.f32.msk $0xffff, v1  }
0x8a: {  	v5 =	vld [tilespmem:s21+$0x10]  }
0x8b: {  	s20 =	simm.s32 $0x12;
	s23 =	simm.s32 $0x3E8;
	s18 =	simm.s32 $0x4A38;
	v2 =	vadd.s32 s14, v6  }
.LBB2_8:
0x8c: {  	v6 =	vld [tilespmem:s23+$0x32]  }
0x8d: {  	s20 =	sadd.s32 $0x2, s20;
	v4 =	vadd.s32 s17, v4;
	[tilespmem:v3+s8+$0x0] =	vst.idx.add.f32.msk $0xffff, v1  }
0x8e: {  	p0 =	slt.u32 s20, $0x1E;
	v3 =	vld [tilespmem:s13+$0x54]  }
0x8f: {  	v7 =	vld [tilespmem:s23+$0x0];
	v5 =	vadd.s32 s16, v5  }
0x90: {  	s17 =	sadd.s32 $0x7D0, s17;
	[tilespmem:v2+s8+$0x0] =	vst.idx.add.f32.msk $0xffff, v1  }
0x91: {  	s24 =	sadd.s32 $0xFFFFFC18, s17;
	v2 =	vadd.s32 s17, v6;
	v6 =	vld [tilespmem:s13+$0x22];
	s13 =	smov.u32 s15;
	s15 =	smov.u32 s23  }
0x92: {  	[tilespmem:v4+s8+$0x0] =	vst.idx.add.f32.msk $0xffff, v1  }
0x93: {  	v8 =	vld [tilespmem:s22+$0x20];
	v9 =	vadd.s32 s12, v3;
	s12 =	smov.u32 s18;
	s18 =	smov.u32 s17  }
0x94: {  	v7 =	vadd.s32 s24, v7;
	[tilespmem:v5+s8+$0x0] =	vst.idx.add.f32.msk $0xffff, v1  }
0x95: {  	s19 =	sadd.s32 $0x64, s19;
	v10 =	vld [tilespmem:s21+$0x20]  }
0x96: {  	s22 =	sand.u32 $0x7FE, s19;
	s21 =	sadd.s32 $0xFFFFFFCE, s19;
	[tilespmem:v2+s8+$0x0] =	vst.idx.add.f32.msk $0xffff, v1;
	v6 =	vadd.s32 s14, v6;
	s14 =	smov.u32 s16  }
.Ltmp3:
0x97: {  	s21 =	sand.u32 $0x7FC, s21;
	s16 =	smov.u32 s24;
	v4 =	vld [tilespmem:s22+$0x10];
	(pc) =	sbr.rel @p0 .LBB2_8-.Ltmp3, $4  }
0x98: {  	v3 =	vadd.s32 s12, v8;
	[tilespmem:v9+s8+$0x0] =	vst.idx.add.f32.msk vm0, v1  }
0x99: {  	[tilespmem:v7+s8+$0x0] =	vst.idx.add.f32.msk $0xffff, v1  }
0x9a: {  	v5 =	vld [tilespmem:s21+$0x10];
	v2 =	vadd.s32 s14, v10  }
0x9b: {  	s23 =	sadd.s32 $0x64, s23;
	[tilespmem:v6+s8+$0x0] =	vst.idx.add.f32.msk vm0, v1  }
0x9c: {  	_ = 	snop  }
0x9d: {  	v4 =	vadd.s32 s17, v4;
	_ =	sdelay $0x1  }
0x9e: {  	v5 =	vadd.s32 s16, v5;
	_ =	sdelay $0x2  }
0x9f: {  	[tilespmem:v4+s8+$0x0] =	vst.idx.add.f32.msk $0xffff, v1  }
0xa0: {  	v4 =	vld [tilespmem:s22+$0x20]  }
0xa1: {  	[tilespmem:v5+s8+$0x0] =	vst.idx.add.f32.msk $0xffff, v1  }
0xa2: {  	v5 =	vld [tilespmem:s21+$0x20];
	_ =	sdelay $0x2  }
0xa3: {  	v4 =	vadd.s32 s18, v4  }
0xa4: {  	[tilespmem:v3+s8+$0x0] =	vst.idx.add.f32.msk $0xffff, v1  }
0xa5: {  	[tilespmem:v2+s8+$0x0] =	vst.idx.add.f32.msk $0xffff, v1;
	v5 =	vadd.s32 s16, v5  }
0xa6: {  	v3 =	vld [tilespmem:s13+$0x54]  }
0xa7: {  	v2 =	vld [tilespmem:s13+$0x22]  }
0xa8: {  	[tilespmem:v4+s8+$0x0] =	vst.idx.add.f32.msk $0xffff, v1  }
0xa9: {  	v4 =	vld [tilespmem:s15+$0x54]  }
0xaa: {  	[tilespmem:v5+s8+$0x0] =	vst.idx.add.f32.msk $0xffff, v1  }
0xab: {  	v5 =	vld [tilespmem:s15+$0x22];
	_ =	sdelay $0x1  }
0xac: {  	v3 =	vadd.s32 s12, v3  }
0xad: {  	v2 =	vadd.s32 s14, v2  }
0xae: {  	v4 =	vadd.s32 s18, v4  }
0xaf: {  	v5 =	vadd.s32 s16, v5;
	_ =	sdelay $0x1  }
0xb0: {  	[tilespmem:v3+s8+$0x0] =	vst.idx.add.f32.msk vm0, v1  }
0xb1: {  	[tilespmem:v2+s8+$0x0] =	vst.idx.add.f32.msk vm0, v1  }
0xb2: {  	[tilespmem:v4+s8+$0x0] =	vst.idx.add.f32.msk vm0, v1  }
0xb3: {  	s11 =	sadd.s32 $0x1, s11;
	[tilespmem:v5+s8+$0x0] =	vst.idx.add.f32.msk vm0, v1  }
0xb4: {  	[hbm4b:s5+s2] =	stream.linear.scatter [tilespmem:s9], [sflag:$0x2], $0x3E80, $0x38;
	[tilespmem:$0x8340] =	vst v63  }
0xb5: {  	p0 =	sne.s32 s11, s6;
	_ =	swait.ge [sflag:s10], $0x3E80  }
.Ltmp4:
0xb6: {  	[sflag:s10] =	ssyncset.done $0x0;
	(pc) =	sbr.rel @p0 .LBB2_1-.Ltmp4, $4  }
0xb7: {  	[sflag:s10] =	ssyncadd.s32 $0xFFFFC180  }
0xb8: {  	_ =	swait.ge [sflag:s10], $0x3E80  }
0xb9: {  	[sflag:s10] =	ssyncset.done $0x0  }
0xba: {  	[sflag:s10] =	ssyncadd.s32 $0xFFFFC180  }
0xbb: {  	_ =	sfence.sel $0x180000  }
0xbc: {  	[bflag:$0x0] =	sbarrier.arrive $0xFFFF  }
0xbd: {  	p0 =	sne.s32 s0, $0x0;
	_ =	strace $0x90000047  }
0xbe: {  	s0 =	sadd.s32 @!p0 $0x100000, s1;
	[bflag:$0x2] =	sbarrier.arrive $0xFFFF  }
0xbf: {  	[sflag:s0] =	ssyncadd.tile.s32 @!p0 $0x1;
	_ =	shalt  }
.Lfunc_end2:
_tile_overlayer_lowered:
.L_overlay_start_2:
0xc0: {  	(tag) =	ssettag $0x2  }
0xc1: {  	s0 =	rddreg [dreg:$0x0];
	s2 =	stileid.u32  }
0xc2: {  	s1 =	rddreg [dreg:$0x1];
	p0 =	sne.s32 s2, $0x0  }
0xc3: {  	s3 =	rddreg [dreg:$0x2];
	[bflag:$0x3] =	sbarrier.arrive $0xFFFF;
	s2 =	simm.s32 @!p0 $0x1C03  }
0xc4: {  	[timem:s3], [sflag:s2] =	dma.local @!p0 [hbm:s0], s1  }
0xc5: {  	s0 =	simm.s32 @!p0 $0x3  }
0xc6: {  	_ =	swait.ge @!p0 [sflag:s0], s1  }
0xc7: {  	s1 =	ssub.s32 @!p0 $0x0, s1;
	[sflag:s0] =	ssyncset.done @!p0 $0x0  }
0xc8: {  	[sflag:s0] =	ssyncadd.s32 @!p0 s1  }
0xc9: {  	[bflag:$0x3] =	sbarrier.arrive $0xFFFF  }
0xca: {  	_ =	shalt  }

</sc_bundles>
